<compile_context>
chip_gen: v7x
topology: tpu7x:2x2x1
jax: 0.10.2.dev20260603
libtpu: 0.0.44.dev20260713+nightly
codegen_flags: <defaults>
</compile_context>

<pallas_src>
import functools
import jax
import jax.numpy as jnp
from jax import lax
from jax.experimental import pallas as pl
from jax.experimental.pallas import tpu as pltpu
from jax.experimental.pallas import tpu_sc as plsc

_B = 128
_NC = 2
_NS = 16
_NW = _NC * _NS
_GRP = 8


def _sc_body(n_per_w, table_hbm, out_hbm, slice_v, sem):
    wid = lax.axis_index("s") * _NC + lax.axis_index("c")
    base = wid * n_per_w
    pltpu.sync_copy(table_hbm.at[pl.ds(base, n_per_w)], slice_v)

    def group(g, carry):
        b0 = g * _GRP
        for j in range(_GRP):
            pltpu.make_async_copy(
                slice_v, out_hbm.at[b0 + j, pl.ds(base, n_per_w)], sem
            ).start()
        for j in range(_GRP):
            pltpu.make_async_copy(
                slice_v, out_hbm.at[b0 + j, pl.ds(base, n_per_w)], sem
            ).wait()
        return carry

    lax.fori_loop(0, _B // _GRP, group, 0)


def kernel(batch_size, table):
    n, d = table.shape
    n_per_w = n // _NW
    mesh = plsc.VectorSubcoreMesh(core_axis_name="c", subcore_axis_name="s")
    k = pl.kernel(
        functools.partial(_sc_body, n_per_w),
        out_type=jax.ShapeDtypeStruct((_B, n, d), table.dtype),
        mesh=mesh,
        scratch_types=[
            pltpu.VMEM((n_per_w, d), table.dtype),
            pltpu.SemaphoreType.DMA,
        ],
    )
    return k(table)

# --- scband reference (transcript-rebuilt; emitter-appended) ---
"""Pipeline reference for scband-learned-positional-encoding-90812788507348 (READ-ONLY COPY).

The authoritative reference and input builder live on the scoring server;
editing this copy changes nothing except your own understanding.
"""

import jax, jax.numpy as jnp
import numpy as np

N = 8192
D_MODEL = 64

def setup_inputs(seed: int = 0) -> dict:
    key = jax.random.key(seed)
    table = jax.random.normal(key, (N, D_MODEL), dtype=jnp.float32)
    return {"batch_size": 128, "table": table}

def reference(batch_size, table):
    # positions = arange(N); pe = embedding(positions)
    positions = jnp.arange(table.shape[0])
    pe = jnp.take(table, positions, axis=0)  # (N, d_model)
    # unsqueeze(0).expand(batch_size, -1, -1)
    bsz = 128
    zero = (jnp.asarray(batch_size) - jnp.asarray(batch_size)).astype(pe.dtype)
    out = jnp.broadcast_to(pe[None, :, :], (bsz, pe.shape[0], pe.shape[1])) + zero
    return out

if __name__ == "__main__":
    import jax
    _d = setup_inputs()
    print(jax.jit(kernel)(*tuple(_d.values())))

</pallas_src>

<mosaic_0001>
#map = affine_map<(d0, d1) -> (0, 0)>
#map1 = affine_map<(d0, d1) -> (0, 0, 0)>
module attributes {stable_mosaic.version = 14 : i64} {
  func.func @_sc_body(%arg0: i32, %arg1: i32, %arg2: memref<8192x64xf32, #tpu.memory_space<hbm>>, %arg3: memref<128x8192x64xf32, #tpu.memory_space<hbm>>, %arg4: memref<256x64xf32, #tpu.memory_space<vmem>>, %arg5: memref<!tpu.dma_semaphore, #tpu.memory_space<semaphore_mem>>) attributes {dimension_semantics = [#tpu.dimension_semantics<core_parallel>, #tpu.dimension_semantics<subcore_parallel>], iteration_bounds = array<i64: 2, 16>, scalar_prefetch = 0 : i64, scratch_operands = 2 : i64, tpu.core_type = #tpu.core_type<sc_vector_subcore>, window_params = [{transform_indices = #map}, {transform_indices = #map1}]} {
    %mul3A = arith.constant 2 : i32
    %mul3A_0 = arith.muli %arg1, %mul3A : i32
    %add3A = arith.addi %mul3A_0, %arg0 : i32
    %mul3A_1 = arith.constant 256 : i32
    %mul3A_2 = arith.muli %add3A, %mul3A_1 : i32
    "tpu.region"() ({
      %run_scoped3A = tpu.sem_alloc : memref<!tpu.dma_semaphore, #tpu.memory_space<semaphore_mem>>
      %dma_start3A = arith.constant 0 : i32
      %dma_start3A_8 = tpu.memref_slice %arg2[%mul3A_2, %dma_start3A] : memref<8192x64xf32, #tpu.memory_space<hbm>> -> memref<256x64xf32, #tpu.memory_space<hbm>>
      %dma_start3A_9 = arith.constant 0 : i32
      %dma_start3A_10 = tpu.memref_slice %arg2[%mul3A_2, %dma_start3A_9] : memref<8192x64xf32, #tpu.memory_space<hbm>> -> memref<256x64xf32, #tpu.memory_space<hbm>>
      tpu.enqueue_dma source(%dma_start3A_10 : memref<256x64xf32, #tpu.memory_space<hbm>>) target(%arg4 : memref<256x64xf32, #tpu.memory_space<vmem>>) target_semaphore(%run_scoped3A : memref<!tpu.dma_semaphore, #tpu.memory_space<semaphore_mem>>)
      %dma_wait3A = arith.constant 0 : i32
      %dma_wait3A_11 = tpu.memref_slice %arg2[%mul3A_2, %dma_wait3A] : memref<8192x64xf32, #tpu.memory_space<hbm>> -> memref<256x64xf32, #tpu.memory_space<hbm>>
      %dma_wait3A_12 = arith.constant 0 : i32
      %dma_wait3A_13 = tpu.memref_slice %arg2[%mul3A_2, %dma_wait3A_12] : memref<8192x64xf32, #tpu.memory_space<hbm>> -> memref<256x64xf32, #tpu.memory_space<hbm>>
      tpu.wait_dma2 semaphore(%run_scoped3A : memref<!tpu.dma_semaphore, #tpu.memory_space<semaphore_mem>>) src(%dma_wait3A_13 : memref<256x64xf32, #tpu.memory_space<hbm>>) dst(%arg4 : memref<256x64xf32, #tpu.memory_space<vmem>>)
      tpu.yield
    }) : () -> ()
    %scan3A = arith.constant 0 : i32
    %scan3A_3 = arith.constant 0 : i32
    %scan3A_4 = arith.constant 16 : i32
    %scan3A_5 = arith.addi %scan3A_3, %scan3A_4 : i32
    %scan3A_6 = arith.constant 1 : i32
    scf.for %scan3A_8 = %scan3A_3 to %scan3A_5 step %scan3A_6  : i32 {
      %mul3A_9 = arith.constant 8 : i32
      %mul3A_10 = arith.muli %scan3A_8, %mul3A_9 : i32
      %add3A_11 = arith.constant 0 : i32
      %add3A_12 = arith.addi %mul3A_10, %add3A_11 : i32
      %dma_start3A = arith.constant 0 : i32
      %dma_start3A_13 = tpu.memref_slice %arg3[%add3A_12, %mul3A_2, %dma_start3A] : memref<128x8192x64xf32, #tpu.memory_space<hbm>> -> memref<1x256x64xf32, #tpu.memory_space<hbm>>
      %dma_start3A_14 = tpu.memref_squeeze %dma_start3A_13 : memref<1x256x64xf32, #tpu.memory_space<hbm>> -> memref<256x64xf32, #tpu.memory_space<hbm>>
      %dma_start3A_15 = arith.constant 0 : i32
      %dma_start3A_16 = tpu.memref_slice %arg3[%add3A_12, %mul3A_2, %dma_start3A_15] : memref<128x8192x64xf32, #tpu.memory_space<hbm>> -> memref<1x256x64xf32, #tpu.memory_space<hbm>>
      %dma_start3A_17 = tpu.memref_squeeze %dma_start3A_16 : memref<1x256x64xf32, #tpu.memory_space<hbm>> -> memref<256x64xf32, #tpu.memory_space<hbm>>
      tpu.enqueue_dma source(%arg4 : memref<256x64xf32, #tpu.memory_space<vmem>>) target(%dma_start3A_17 : memref<256x64xf32, #tpu.memory_space<hbm>>) target_semaphore(%arg5 : memref<!tpu.dma_semaphore, #tpu.memory_space<semaphore_mem>>)
      %add3A_18 = arith.constant 1 : i32
      %add3A_19 = arith.addi %mul3A_10, %add3A_18 : i32
      %dma_start3A_20 = arith.constant 0 : i32
      %dma_start3A_21 = tpu.memref_slice %arg3[%add3A_19, %mul3A_2, %dma_start3A_20] : memref<128x8192x64xf32, #tpu.memory_space<hbm>> -> memref<1x256x64xf32, #tpu.memory_space<hbm>>
      %dma_start3A_22 = tpu.memref_squeeze %dma_start3A_21 : memref<1x256x64xf32, #tpu.memory_space<hbm>> -> memref<256x64xf32, #tpu.memory_space<hbm>>
      %dma_start3A_23 = arith.constant 0 : i32
      %dma_start3A_24 = tpu.memref_slice %arg3[%add3A_19, %mul3A_2, %dma_start3A_23] : memref<128x8192x64xf32, #tpu.memory_space<hbm>> -> memref<1x256x64xf32, #tpu.memory_space<hbm>>
      %dma_start3A_25 = tpu.memref_squeeze %dma_start3A_24 : memref<1x256x64xf32, #tpu.memory_space<hbm>> -> memref<256x64xf32, #tpu.memory_space<hbm>>
      tpu.enqueue_dma source(%arg4 : memref<256x64xf32, #tpu.memory_space<vmem>>) target(%dma_start3A_25 : memref<256x64xf32, #tpu.memory_space<hbm>>) target_semaphore(%arg5 : memref<!tpu.dma_semaphore, #tpu.memory_space<semaphore_mem>>)
      %add3A_26 = arith.constant 2 : i32
      %add3A_27 = arith.addi %mul3A_10, %add3A_26 : i32
      %dma_start3A_28 = arith.constant 0 : i32
      %dma_start3A_29 = tpu.memref_slice %arg3[%add3A_27, %mul3A_2, %dma_start3A_28] : memref<128x8192x64xf32, #tpu.memory_space<hbm>> -> memref<1x256x64xf32, #tpu.memory_space<hbm>>
      %dma_start3A_30 = tpu.memref_squeeze %dma_start3A_29 : memref<1x256x64xf32, #tpu.memory_space<hbm>> -> memref<256x64xf32, #tpu.memory_space<hbm>>
      %dma_start3A_31 = arith.constant 0 : i32
      %dma_start3A_32 = tpu.memref_slice %arg3[%add3A_27, %mul3A_2, %dma_start3A_31] : memref<128x8192x64xf32, #tpu.memory_space<hbm>> -> memref<1x256x64xf32, #tpu.memory_space<hbm>>
      %dma_start3A_33 = tpu.memref_squeeze %dma_start3A_32 : memref<1x256x64xf32, #tpu.memory_space<hbm>> -> memref<256x64xf32, #tpu.memory_space<hbm>>
      tpu.enqueue_dma source(%arg4 : memref<256x64xf32, #tpu.memory_space<vmem>>) target(%dma_start3A_33 : memref<256x64xf32, #tpu.memory_space<hbm>>) target_semaphore(%arg5 : memref<!tpu.dma_semaphore, #tpu.memory_space<semaphore_mem>>)
      %add3A_34 = arith.constant 3 : i32
      %add3A_35 = arith.addi %mul3A_10, %add3A_34 : i32
      %dma_start3A_36 = arith.constant 0 : i32
      %dma_start3A_37 = tpu.memref_slice %arg3[%add3A_35, %mul3A_2, %dma_start3A_36] : memref<128x8192x64xf32, #tpu.memory_space<hbm>> -> memref<1x256x64xf32, #tpu.memory_space<hbm>>
      %dma_start3A_38 = tpu.memref_squeeze %dma_start3A_37 : memref<1x256x64xf32, #tpu.memory_space<hbm>> -> memref<256x64xf32, #tpu.memory_space<hbm>>
      %dma_start3A_39 = arith.constant 0 : i32
      %dma_start3A_40 = tpu.memref_slice %arg3[%add3A_35, %mul3A_2, %dma_start3A_39] : memref<128x8192x64xf32, #tpu.memory_space<hbm>> -> memref<1x256x64xf32, #tpu.memory_space<hbm>>
      %dma_start3A_41 = tpu.memref_squeeze %dma_start3A_40 : memref<1x256x64xf32, #tpu.memory_space<hbm>> -> memref<256x64xf32, #tpu.memory_space<hbm>>
      tpu.enqueue_dma source(%arg4 : memref<256x64xf32, #tpu.memory_space<vmem>>) target(%dma_start3A_41 : memref<256x64xf32, #tpu.memory_space<hbm>>) target_semaphore(%arg5 : memref<!tpu.dma_semaphore, #tpu.memory_space<semaphore_mem>>)
      %add3A_42 = arith.constant 4 : i32
      %add3A_43 = arith.addi %mul3A_10, %add3A_42 : i32
      %dma_start3A_44 = arith.constant 0 : i32
      %dma_start3A_45 = tpu.memref_slice %arg3[%add3A_43, %mul3A_2, %dma_start3A_44] : memref<128x8192x64xf32, #tpu.memory_space<hbm>> -> memref<1x256x64xf32, #tpu.memory_space<hbm>>
      %dma_start3A_46 = tpu.memref_squeeze %dma_start3A_45 : memref<1x256x64xf32, #tpu.memory_space<hbm>> -> memref<256x64xf32, #tpu.memory_space<hbm>>
      %dma_start3A_47 = arith.constant 0 : i32
      %dma_start3A_48 = tpu.memref_slice %arg3[%add3A_43, %mul3A_2, %dma_start3A_47] : memref<128x8192x64xf32, #tpu.memory_space<hbm>> -> memref<1x256x64xf32, #tpu.memory_space<hbm>>
      %dma_start3A_49 = tpu.memref_squeeze %dma_start3A_48 : memref<1x256x64xf32, #tpu.memory_space<hbm>> -> memref<256x64xf32, #tpu.memory_space<hbm>>
      tpu.enqueue_dma source(%arg4 : memref<256x64xf32, #tpu.memory_space<vmem>>) target(%dma_start3A_49 : memref<256x64xf32, #tpu.memory_space<hbm>>) target_semaphore(%arg5 : memref<!tpu.dma_semaphore, #tpu.memory_space<semaphore_mem>>)
      %add3A_50 = arith.constant 5 : i32
      %add3A_51 = arith.addi %mul3A_10, %add3A_50 : i32
      %dma_start3A_52 = arith.constant 0 : i32
      %dma_start3A_53 = tpu.memref_slice %arg3[%add3A_51, %mul3A_2, %dma_start3A_52] : memref<128x8192x64xf32, #tpu.memory_space<hbm>> -> memref<1x256x64xf32, #tpu.memory_space<hbm>>
      %dma_start3A_54 = tpu.memref_squeeze %dma_start3A_53 : memref<1x256x64xf32, #tpu.memory_space<hbm>> -> memref<256x64xf32, #tpu.memory_space<hbm>>
      %dma_start3A_55 = arith.constant 0 : i32
      %dma_start3A_56 = tpu.memref_slice %arg3[%add3A_51, %mul3A_2, %dma_start3A_55] : memref<128x8192x64xf32, #tpu.memory_space<hbm>> -> memref<1x256x64xf32, #tpu.memory_space<hbm>>
      %dma_start3A_57 = tpu.memref_squeeze %dma_start3A_56 : memref<1x256x64xf32, #tpu.memory_space<hbm>> -> memref<256x64xf32, #tpu.memory_space<hbm>>
      tpu.enqueue_dma source(%arg4 : memref<256x64xf32, #tpu.memory_space<vmem>>) target(%dma_start3A_57 : memref<256x64xf32, #tpu.memory_space<hbm>>) target_semaphore(%arg5 : memref<!tpu.dma_semaphore, #tpu.memory_space<semaphore_mem>>)
      %add3A_58 = arith.constant 6 : i32
      %add3A_59 = arith.addi %mul3A_10, %add3A_58 : i32
      %dma_start3A_60 = arith.constant 0 : i32
      %dma_start3A_61 = tpu.memref_slice %arg3[%add3A_59, %mul3A_2, %dma_start3A_60] : memref<128x8192x64xf32, #tpu.memory_space<hbm>> -> memref<1x256x64xf32, #tpu.memory_space<hbm>>
      %dma_start3A_62 = tpu.memref_squeeze %dma_start3A_61 : memref<1x256x64xf32, #tpu.memory_space<hbm>> -> memref<256x64xf32, #tpu.memory_space<hbm>>
      %dma_start3A_63 = arith.constant 0 : i32
      %dma_start3A_64 = tpu.memref_slice %arg3[%add3A_59, %mul3A_2, %dma_start3A_63] : memref<128x8192x64xf32, #tpu.memory_space<hbm>> -> memref<1x256x64xf32, #tpu.memory_space<hbm>>
      %dma_start3A_65 = tpu.memref_squeeze %dma_start3A_64 : memref<1x256x64xf32, #tpu.memory_space<hbm>> -> memref<256x64xf32, #tpu.memory_space<hbm>>
      tpu.enqueue_dma source(%arg4 : memref<256x64xf32, #tpu.memory_space<vmem>>) target(%dma_start3A_65 : memref<256x64xf32, #tpu.memory_space<hbm>>) target_semaphore(%arg5 : memref<!tpu.dma_semaphore, #tpu.memory_space<semaphore_mem>>)
      %add3A_66 = arith.constant 7 : i32
      %add3A_67 = arith.addi %mul3A_10, %add3A_66 : i32
      %dma_start3A_68 = arith.constant 0 : i32
      %dma_start3A_69 = tpu.memref_slice %arg3[%add3A_67, %mul3A_2, %dma_start3A_68] : memref<128x8192x64xf32, #tpu.memory_space<hbm>> -> memref<1x256x64xf32, #tpu.memory_space<hbm>>
      %dma_start3A_70 = tpu.memref_squeeze %dma_start3A_69 : memref<1x256x64xf32, #tpu.memory_space<hbm>> -> memref<256x64xf32, #tpu.memory_space<hbm>>
      %dma_start3A_71 = arith.constant 0 : i32
      %dma_start3A_72 = tpu.memref_slice %arg3[%add3A_67, %mul3A_2, %dma_start3A_71] : memref<128x8192x64xf32, #tpu.memory_space<hbm>> -> memref<1x256x64xf32, #tpu.memory_space<hbm>>
      %dma_start3A_73 = tpu.memref_squeeze %dma_start3A_72 : memref<1x256x64xf32, #tpu.memory_space<hbm>> -> memref<256x64xf32, #tpu.memory_space<hbm>>
      tpu.enqueue_dma source(%arg4 : memref<256x64xf32, #tpu.memory_space<vmem>>) target(%dma_start3A_73 : memref<256x64xf32, #tpu.memory_space<hbm>>) target_semaphore(%arg5 : memref<!tpu.dma_semaphore, #tpu.memory_space<semaphore_mem>>)
      %add3A_74 = arith.constant 0 : i32
      %add3A_75 = arith.addi %mul3A_10, %add3A_74 : i32
      %dma_wait3A = arith.constant 0 : i32
      %dma_wait3A_76 = tpu.memref_slice %arg3[%add3A_75, %mul3A_2, %dma_wait3A] : memref<128x8192x64xf32, #tpu.memory_space<hbm>> -> memref<1x256x64xf32, #tpu.memory_space<hbm>>
      %dma_wait3A_77 = tpu.memref_squeeze %dma_wait3A_76 : memref<1x256x64xf32, #tpu.memory_space<hbm>> -> memref<256x64xf32, #tpu.memory_space<hbm>>
      %dma_wait3A_78 = arith.constant 0 : i32
      %dma_wait3A_79 = tpu.memref_slice %arg3[%add3A_75, %mul3A_2, %dma_wait3A_78] : memref<128x8192x64xf32, #tpu.memory_space<hbm>> -> memref<1x256x64xf32, #tpu.memory_space<hbm>>
      %dma_wait3A_80 = tpu.memref_squeeze %dma_wait3A_79 : memref<1x256x64xf32, #tpu.memory_space<hbm>> -> memref<256x64xf32, #tpu.memory_space<hbm>>
      tpu.wait_dma2 semaphore(%arg5 : memref<!tpu.dma_semaphore, #tpu.memory_space<semaphore_mem>>) src(%arg4 : memref<256x64xf32, #tpu.memory_space<vmem>>) dst(%dma_wait3A_80 : memref<256x64xf32, #tpu.memory_space<hbm>>)
      %add3A_81 = arith.constant 1 : i32
      %add3A_82 = arith.addi %mul3A_10, %add3A_81 : i32
      %dma_wait3A_83 = arith.constant 0 : i32
      %dma_wait3A_84 = tpu.memref_slice %arg3[%add3A_82, %mul3A_2, %dma_wait3A_83] : memref<128x8192x64xf32, #tpu.memory_space<hbm>> -> memref<1x256x64xf32, #tpu.memory_space<hbm>>
      %dma_wait3A_85 = tpu.memref_squeeze %dma_wait3A_84 : memref<1x256x64xf32, #tpu.memory_space<hbm>> -> memref<256x64xf32, #tpu.memory_space<hbm>>
      %dma_wait3A_86 = arith.constant 0 : i32
      %dma_wait3A_87 = tpu.memref_slice %arg3[%add3A_82, %mul3A_2, %dma_wait3A_86] : memref<128x8192x64xf32, #tpu.memory_space<hbm>> -> memref<1x256x64xf32, #tpu.memory_space<hbm>>
      %dma_wait3A_88 = tpu.memref_squeeze %dma_wait3A_87 : memref<1x256x64xf32, #tpu.memory_space<hbm>> -> memref<256x64xf32, #tpu.memory_space<hbm>>
      tpu.wait_dma2 semaphore(%arg5 : memref<!tpu.dma_semaphore, #tpu.memory_space<semaphore_mem>>) src(%arg4 : memref<256x64xf32, #tpu.memory_space<vmem>>) dst(%dma_wait3A_88 : memref<256x64xf32, #tpu.memory_space<hbm>>)
      %add3A_89 = arith.constant 2 : i32
      %add3A_90 = arith.addi %mul3A_10, %add3A_89 : i32
      %dma_wait3A_91 = arith.constant 0 : i32
      %dma_wait3A_92 = tpu.memref_slice %arg3[%add3A_90, %mul3A_2, %dma_wait3A_91] : memref<128x8192x64xf32, #tpu.memory_space<hbm>> -> memref<1x256x64xf32, #tpu.memory_space<hbm>>
      %dma_wait3A_93 = tpu.memref_squeeze %dma_wait3A_92 : memref<1x256x64xf32, #tpu.memory_space<hbm>> -> memref<256x64xf32, #tpu.memory_space<hbm>>
      %dma_wait3A_94 = arith.constant 0 : i32
      %dma_wait3A_95 = tpu.memref_slice %arg3[%add3A_90, %mul3A_2, %dma_wait3A_94] : memref<128x8192x64xf32, #tpu.memory_space<hbm>> -> memref<1x256x64xf32, #tpu.memory_space<hbm>>
      %dma_wait3A_96 = tpu.memref_squeeze %dma_wait3A_95 : memref<1x256x64xf32, #tpu.memory_space<hbm>> -> memref<256x64xf32, #tpu.memory_space<hbm>>
      tpu.wait_dma2 semaphore(%arg5 : memref<!tpu.dma_semaphore, #tpu.memory_space<semaphore_mem>>) src(%arg4 : memref<256x64xf32, #tpu.memory_space<vmem>>) dst(%dma_wait3A_96 : memref<256x64xf32, #tpu.memory_space<hbm>>)
      %add3A_97 = arith.constant 3 : i32
      %add3A_98 = arith.addi %mul3A_10, %add3A_97 : i32
      %dma_wait3A_99 = arith.constant 0 : i32
      %dma_wait3A_100 = tpu.memref_slice %arg3[%add3A_98, %mul3A_2, %dma_wait3A_99] : memref<128x8192x64xf32, #tpu.memory_space<hbm>> -> memref<1x256x64xf32, #tpu.memory_space<hbm>>
      %dma_wait3A_101 = tpu.memref_squeeze %dma_wait3A_100 : memref<1x256x64xf32, #tpu.memory_space<hbm>> -> memref<256x64xf32, #tpu.memory_space<hbm>>
      %dma_wait3A_102 = arith.constant 0 : i32
      %dma_wait3A_103 = tpu.memref_slice %arg3[%add3A_98, %mul3A_2, %dma_wait3A_102] : memref<128x8192x64xf32, #tpu.memory_space<hbm>> -> memref<1x256x64xf32, #tpu.memory_space<hbm>>
      %dma_wait3A_104 = tpu.memref_squeeze %dma_wait3A_103 : memref<1x256x64xf32, #tpu.memory_space<hbm>> -> memref<256x64xf32, #tpu.memory_space<hbm>>
      tpu.wait_dma2 semaphore(%arg5 : memref<!tpu.dma_semaphore, #tpu.memory_space<semaphore_mem>>) src(%arg4 : memref<256x64xf32, #tpu.memory_space<vmem>>) dst(%dma_wait3A_104 : memref<256x64xf32, #tpu.memory_space<hbm>>)
      %add3A_105 = arith.constant 4 : i32
      %add3A_106 = arith.addi %mul3A_10, %add3A_105 : i32
      %dma_wait3A_107 = arith.constant 0 : i32
      %dma_wait3A_108 = tpu.memref_slice %arg3[%add3A_106, %mul3A_2, %dma_wait3A_107] : memref<128x8192x64xf32, #tpu.memory_space<hbm>> -> memref<1x256x64xf32, #tpu.memory_space<hbm>>
      %dma_wait3A_109 = tpu.memref_squeeze %dma_wait3A_108 : memref<1x256x64xf32, #tpu.memory_space<hbm>> -> memref<256x64xf32, #tpu.memory_space<hbm>>
      %dma_wait3A_110 = arith.constant 0 : i32
      %dma_wait3A_111 = tpu.memref_slice %arg3[%add3A_106, %mul3A_2, %dma_wait3A_110] : memref<128x8192x64xf32, #tpu.memory_space<hbm>> -> memref<1x256x64xf32, #tpu.memory_space<hbm>>
      %dma_wait3A_112 = tpu.memref_squeeze %dma_wait3A_111 : memref<1x256x64xf32, #tpu.memory_space<hbm>> -> memref<256x64xf32, #tpu.memory_space<hbm>>
      tpu.wait_dma2 semaphore(%arg5 : memref<!tpu.dma_semaphore, #tpu.memory_space<semaphore_mem>>) src(%arg4 : memref<256x64xf32, #tpu.memory_space<vmem>>) dst(%dma_wait3A_112 : memref<256x64xf32, #tpu.memory_space<hbm>>)
      %add3A_113 = arith.constant 5 : i32
      %add3A_114 = arith.addi %mul3A_10, %add3A_113 : i32
      %dma_wait3A_115 = arith.constant 0 : i32
      %dma_wait3A_116 = tpu.memref_slice %arg3[%add3A_114, %mul3A_2, %dma_wait3A_115] : memref<128x8192x64xf32, #tpu.memory_space<hbm>> -> memref<1x256x64xf32, #tpu.memory_space<hbm>>
      %dma_wait3A_117 = tpu.memref_squeeze %dma_wait3A_116 : memref<1x256x64xf32, #tpu.memory_space<hbm>> -> memref<256x64xf32, #tpu.memory_space<hbm>>
      %dma_wait3A_118 = arith.constant 0 : i32
      %dma_wait3A_119 = tpu.memref_slice %arg3[%add3A_114, %mul3A_2, %dma_wait3A_118] : memref<128x8192x64xf32, #tpu.memory_space<hbm>> -> memref<1x256x64xf32, #tpu.memory_space<hbm>>
      %dma_wait3A_120 = tpu.memref_squeeze %dma_wait3A_119 : memref<1x256x64xf32, #tpu.memory_space<hbm>> -> memref<256x64xf32, #tpu.memory_space<hbm>>
      tpu.wait_dma2 semaphore(%arg5 : memref<!tpu.dma_semaphore, #tpu.memory_space<semaphore_mem>>) src(%arg4 : memref<256x64xf32, #tpu.memory_space<vmem>>) dst(%dma_wait3A_120 : memref<256x64xf32, #tpu.memory_space<hbm>>)
      %add3A_121 = arith.constant 6 : i32
      %add3A_122 = arith.addi %mul3A_10, %add3A_121 : i32
      %dma_wait3A_123 = arith.constant 0 : i32
      %dma_wait3A_124 = tpu.memref_slice %arg3[%add3A_122, %mul3A_2, %dma_wait3A_123] : memref<128x8192x64xf32, #tpu.memory_space<hbm>> -> memref<1x256x64xf32, #tpu.memory_space<hbm>>
      %dma_wait3A_125 = tpu.memref_squeeze %dma_wait3A_124 : memref<1x256x64xf32, #tpu.memory_space<hbm>> -> memref<256x64xf32, #tpu.memory_space<hbm>>
      %dma_wait3A_126 = arith.constant 0 : i32
      %dma_wait3A_127 = tpu.memref_slice %arg3[%add3A_122, %mul3A_2, %dma_wait3A_126] : memref<128x8192x64xf32, #tpu.memory_space<hbm>> -> memref<1x256x64xf32, #tpu.memory_space<hbm>>
      %dma_wait3A_128 = tpu.memref_squeeze %dma_wait3A_127 : memref<1x256x64xf32, #tpu.memory_space<hbm>> -> memref<256x64xf32, #tpu.memory_space<hbm>>
      tpu.wait_dma2 semaphore(%arg5 : memref<!tpu.dma_semaphore, #tpu.memory_space<semaphore_mem>>) src(%arg4 : memref<256x64xf32, #tpu.memory_space<vmem>>) dst(%dma_wait3A_128 : memref<256x64xf32, #tpu.memory_space<hbm>>)
      %add3A_129 = arith.constant 7 : i32
      %add3A_130 = arith.addi %mul3A_10, %add3A_129 : i32
      %dma_wait3A_131 = arith.constant 0 : i32
      %dma_wait3A_132 = tpu.memref_slice %arg3[%add3A_130, %mul3A_2, %dma_wait3A_131] : memref<128x8192x64xf32, #tpu.memory_space<hbm>> -> memref<1x256x64xf32, #tpu.memory_space<hbm>>
      %dma_wait3A_133 = tpu.memref_squeeze %dma_wait3A_132 : memref<1x256x64xf32, #tpu.memory_space<hbm>> -> memref<256x64xf32, #tpu.memory_space<hbm>>
      %dma_wait3A_134 = arith.constant 0 : i32
      %dma_wait3A_135 = tpu.memref_slice %arg3[%add3A_130, %mul3A_2, %dma_wait3A_134] : memref<128x8192x64xf32, #tpu.memory_space<hbm>> -> memref<1x256x64xf32, #tpu.memory_space<hbm>>
      %dma_wait3A_136 = tpu.memref_squeeze %dma_wait3A_135 : memref<1x256x64xf32, #tpu.memory_space<hbm>> -> memref<256x64xf32, #tpu.memory_space<hbm>>
      tpu.wait_dma2 semaphore(%arg5 : memref<!tpu.dma_semaphore, #tpu.memory_space<semaphore_mem>>) src(%arg4 : memref<256x64xf32, #tpu.memory_space<vmem>>) dst(%dma_wait3A_136 : memref<256x64xf32, #tpu.memory_space<hbm>>)
    }
    %scan3A_7 = arith.constant 16 : i32
    return
  }
}

</mosaic_0001>

<sc_bundles>
// kernel: kernel.3.cloned.1.call-start
scs
__scs_entry_jumppad:
0x0: {  	(pc) =	sbr.rel $0x88, $3  }
0x1: {  	(tag) =	ssettag $0x0;
	lr =	simm.s32 $0x1  }
0x2: {  	[smem:$0x3FA0] =	sst lr;
	_ =	strace $0xD0000000  }
0x3: {  	_ = 	snop  }
0x4: {  	_ = 	snop  }
0x5: {  	_ = 	snop  }
0x6: {  	_ = 	snop  }
0x7: {  	_ = 	snop  }
__scs_overlays_trampoline_lowered:
0x8: {  	[smem:$0x3FAF] =	sst s0  }
0x9: {  	[smem:$0x3FB0] =	sst s1  }
0xa: {  	[smem:$0x3FB1] =	sst s2  }
0xb: {  	[smem:$0x3FB2] =	sst s3  }
0xc: {  	[smem:$0x3FB3] =	sst s4  }
0xd: {  	[smem:$0x3FB4] =	sst s5  }
0xe: {  	[smem:$0x3FB5] =	sst s6  }
0xf: {  	[smem:$0x3FB6] =	sst s7  }
0x10: {  	[smem:$0x3FB7] =	sst s8  }
0x11: {  	[smem:$0x3FB8] =	sst s9;
	s0 =	simm.s32 @!p0 $0x0  }
0x12: {  	s1 =	sld [smem:$0x3F9E];
	s0 =	simm.s32 @p0 $0x1  }
0x13: {  	[smem:$0x3FB9] =	sst s0;
	s0 =	simm.s32 @!p1 $0x0  }
0x14: {  	s2 =	sld [smem:$0x3F9D];
	s0 =	simm.s32 @p1 $0x1  }
0x15: {  	[smem:$0x3FBA] =	sst s0;
	s0 =	simm.s32 @!p2 $0x0  }
0x16: {  	s3 =	sld [smem:$0x3FDB];
	s0 =	simm.s32 @p2 $0x1  }
0x17: {  	s4 =	simm.s32 $0x1BF5;
	[smem:$0x3FBC] =	sst s0  }
0x18: {  	s0 =	sld [smem:$0x3F9F];
	_ =	swait.ge [sflag:s4], $0x0  }
0x19: {  	s7 =	sld [smem:$0x3FA0]  }
0x1a: {  	s8 =	sadd.s32 $0xFFFFE003, lr  }
0x1b: {  	s9 =	sadd.s32 $0xFFFFFEF7, lr;
	s5 =	simm.s32 $0xFFFFFFFF;
	p2 =	slt.u32 s8, $0xFFFFF086  }
0x1c: {  	p1 =	slt.u32 s9, $0xF7A;
	s5 =	simm.s32 @!p2 $0x0  }
0x1d: {  	s5 =	simm.s32 @p1 $0x1;
	p0 =	seq.s32 s7, s2  }
0x1e: {  	s7 =	smul.u32 @!p0 $0xF7A, s2;
	p2 =	seq.s32 @!p0 s5, $0x0  }
0x1f: {  	s9 =	smul.u32 $0xF7A, s1;
	s8 =	simm.s32 @!p0 $0x1BF5;
	p2 =	por !p2, p0  }
0x20: {  	[sflag:s8] =	ssyncset.s32 @!p0 $0xFFFFF086;
	s6 =	sadd.s32 @!p0 s3, s7;
	s7 =	simm.s32 @!p0 $0x108  }
0x21: {  	s3 =	sadd.s32 s3, s9;
	s6 =	sadd.s32 @!p0 $0x88, s6;
	s7 =	simm.s32 @p2 $0x1082  }
0x22: {  	[simem:s7], [sflag:s8] =	dma.local @!p0 [hbm:s6], $0xF7A  }
0x23: {  	s9 =	sor.u32 $0xD0000000, s2;
	s6 =	simm.s32 $0x108;
	_ =	swait.ge @!p0 [sflag:s8], $0x0  }
0x24: {  	s3 =	sadd.s32 $0x88, s3;
	s6 =	simm.s32 @!p1 $0x1082;
	[sflag:s4] =	ssyncset.s32 $0xFFFFF086  }
0x25: {  	[simem:s6], [sflag:s4] =	dma.local [hbm:s3], $0xF7A  }
0x26: {  	[smem:$0x3FA0] =	sst s1;
	(tag) =	ssettag s2;
	_ =	strace s9  }
0x27: {  	s1 =	sld [smem:$0x3FB0]  }
0x28: {  	s2 =	sld [smem:$0x3FB1]  }
0x29: {  	s4 =	sld [smem:$0x3FB3]  }
0x2a: {  	p0 =	seq.s32 s5, $0x0;
	s5 =	sld [smem:$0x3FB4]  }
0x2b: {  	s6 =	sld [smem:$0x3FB5]  }
0x2c: {  	s7 =	sld [smem:$0x3FB6]  }
0x2d: {  	s3 =	simm.s32 $0x108;
	s8 =	sld [smem:$0x3FB7]  }
0x2e: {  	s3 =	simm.s32 @!p0 $0x1082;
	s9 =	sld [smem:$0x3FB8]  }
0x2f: {  	lr =	sadd.s32 s0, s3;
	s0 =	sld [smem:$0x3FAF]  }
0x30: {  	s3 =	sld [smem:$0x3FB2]  }
0x31: {  	[smem:$0x3FBB] =	sst s10  }
0x32: {  	s10 =	sld [smem:$0x3FB9];
	_ =	sdelay $0x3  }
0x33: {  	p0 =	seq.s32 s10, $0x1;
	s10 =	sld [smem:$0x3FBB];
	_ =	sdelay $0x3  }
0x34: {  	[smem:$0x3FBB] =	sst s10  }
0x35: {  	s10 =	sld [smem:$0x3FBA];
	_ =	sdelay $0x3  }
0x36: {  	p1 =	seq.s32 s10, $0x1;
	s10 =	sld [smem:$0x3FBB];
	_ =	sdelay $0x3  }
0x37: {  	[smem:$0x3FBB] =	sst s10  }
0x38: {  	s10 =	sld [smem:$0x3FBC]  }
0x39: {  	_ = 	snop;
	(pc) =	sbr.ind lr, $3  }
0x3a: {  	_ = 	snop  }
0x3b: {  	_ = 	snop  }
0x3c: {  	p2 =	seq.s32 s10, $0x1;
	s10 =	sld [smem:$0x3FBB]  }
0x3d: {  	_ =	shalt  }
0x3e: {  	_ =	shalt  }
0x3f: {  	_ =	shalt  }
0x40: {  	_ =	shalt  }
0x41: {  	_ =	shalt  }
0x42: {  	_ =	shalt  }
0x43: {  	_ =	shalt  }
0x44: {  	_ =	shalt  }
0x45: {  	_ =	shalt  }
0x46: {  	_ =	shalt  }
0x47: {  	_ =	shalt  }
0x48: {  	_ =	shalt  }
0x49: {  	_ =	shalt  }
0x4a: {  	_ =	shalt  }
0x4b: {  	_ =	shalt  }
0x4c: {  	_ =	shalt  }
0x4d: {  	_ =	shalt  }
0x4e: {  	_ =	shalt  }
0x4f: {  	_ =	shalt  }
0x50: {  	_ =	shalt  }
0x51: {  	_ =	shalt  }
0x52: {  	_ =	shalt  }
0x53: {  	_ =	shalt  }
0x54: {  	_ =	shalt  }
0x55: {  	_ =	shalt  }
0x56: {  	_ =	shalt  }
0x57: {  	_ =	shalt  }
0x58: {  	_ =	shalt  }
0x59: {  	_ =	shalt  }
0x5a: {  	_ =	shalt  }
0x5b: {  	_ =	shalt  }
0x5c: {  	_ =	shalt  }
0x5d: {  	_ =	shalt  }
0x5e: {  	_ =	shalt  }
0x5f: {  	_ =	shalt  }
0x60: {  	_ =	shalt  }
0x61: {  	_ =	shalt  }
0x62: {  	_ =	shalt  }
0x63: {  	_ =	shalt  }
0x64: {  	_ =	shalt  }
0x65: {  	_ =	shalt  }
0x66: {  	_ =	shalt  }
0x67: {  	_ =	shalt  }
0x68: {  	_ =	shalt  }
0x69: {  	_ =	shalt  }
0x6a: {  	_ =	shalt  }
0x6b: {  	_ =	shalt  }
0x6c: {  	_ =	shalt  }
0x6d: {  	_ =	shalt  }
0x6e: {  	_ =	shalt  }
0x6f: {  	_ =	shalt  }
0x70: {  	_ =	shalt  }
0x71: {  	_ =	shalt  }
0x72: {  	_ =	shalt  }
0x73: {  	_ =	shalt  }
0x74: {  	_ =	shalt  }
0x75: {  	_ =	shalt  }
0x76: {  	_ =	shalt  }
0x77: {  	_ =	shalt  }
0x78: {  	_ =	shalt  }
0x79: {  	_ =	shalt  }
0x7a: {  	_ =	shalt  }
0x7b: {  	_ =	shalt  }
0x7c: {  	_ =	shalt  }
0x7d: {  	_ =	shalt  }
0x7e: {  	_ =	shalt  }
0x7f: {  	_ =	shalt  }
0x80: {  	_ =	shalt  }
0x81: {  	_ =	shalt  }
0x82: {  	_ =	shalt  }
0x83: {  	_ =	shalt  }
0x84: {  	_ =	shalt  }
0x85: {  	_ =	shalt  }
0x86: {  	_ =	shalt  }
0x87: {  	_ =	shalt  }
.Lfunc_end0:
.L_simem_size_0:
called_computation_lowered:
.L_overlay_start_0:
0x88: {  	s2 =	sld [smem:$0x3FD9]  }
0x89: {  	s3 =	sld [smem:$0x3FFE];
	_ =	sdelay $0x1  }
0x8a: {  	s1 =	srdreg.scid  }
0x8b: {  	s0 =	sand.u32 $0x1, s1  }
0x8c: {  	s17 =	sshll.u32 s0, $0xA;
	s2 =	sadd.s32 s3, s2  }
0x8d: {  	s2 =	sadd.s32 s2, s17  }
0x8e: {  	[smem:$0x3FC7] =	sst s2  }
0x8f: {  	_ = 	snop  }
0x90: {  	s2 =	sld [smem:$0x3FD0];
	(tm) =	ssettm $0x1  }
0x91: {  	s18 =	sld [smem:$0x3FFB];
	_ =	sdelay $0x3  }
0x92: {  	_ =	strace s18  }
0x93: {  	s3 =	sld [smem:$0x3FFC];
	_ =	sdelay $0x3  }
0x94: {  	_ =	strace s3  }
0x95: {  	s3 =	sld [smem:$0x3FFD];
	_ =	sdelay $0x3  }
0x96: {  	_ =	strace s3  }
0x97: {  	_ =	strace $0x8FFFFFFF  }
0x98: {  	s19 =	sld [smem:$0x3FDB];
	_ =	sdelay $0x1  }
0x99: {  	s4 =	simm.s32 $_scs_section_size  }
0x9a: {  	s5 =	simm.s32 $_size__tile_overlayer_lowered;
	s6 =	simm.s32 $_tile_overlayer_lowered  }
0x9b: {  	s22 =	simm.s32 $0x1BFF;
	s21 =	sshll.u32 s6, $0x1;
	s3 =	sadd.s32 s4, s19  }
0x9c: {  	s7 =	simm.s32 $0x0;
	s20 =	sshll.u32 s5, $0x1;
	s5 =	sadd.s32 s21, s3  }
0x9d: {  	[timem:s7], [sflag:s22] =	dma.local [hbm:s5], s20  }
0x9e: {  	_ =	swait.ge [sflag:s22], s20  }
0x9f: {  	s4 =	ssub.s32 $0x0, s20;
	[sflag:s22] =	ssyncset.done $0x0  }
0xa0: {  	[sflag:s22] =	ssyncadd.s32 s4;
	_ =	sdelay $0x1  }
0xa1: {  	s23 =	simm.s32 $0x1B8B  }
0xa2: {  	_ =	swait.ge [sflag:s23], $0x1  }
0xa3: {  	[sflag:s23] =	ssyncset.done $0x0  }
0xa4: {  	s25 =	simm.s32 $0x1B8E;
	s24 =	sld [smem:$0x3FFE];
	[sflag:s23] =	ssyncadd.s32 $0xFFFFFFFF  }
0xa5: {  	s26 =	simm.s32 $execute0_lowered;
	[smem:$0x3FD2] =	sst s25  }
0xa6: {  	s5 =	sshll.u32 s26, $0x1;
	_ =	strace $0x80000046;
	[dreg:$0x1] =	wrdreg $0xFFFFFFFF  }
0xa7: {  	s28 =	simm.s32 $_size_execute0_lowered;
	s3 =	sadd.s32 s3, s5;
	[dreg:$0x0] =	wrdreg $0x0  }
0xa8: {  	s5 =	sshll.u32 s28, $0x1;
	[dreg:$0x2] =	wrdreg s3  }
0xa9: {  	[dreg:$0x3] =	wrdreg s5  }
0xaa: {  	[dreg:$0x4] =	wrdreg $0xC0  }
0xab: {  	_ =	task [dreg:s7], $0x5FFFF  }
0xac: {  	[dreg:$0x1] =	wrdreg $0xFFFFFFFF  }
0xad: {  	[dreg:$0x0] =	wrdreg $0x60  }
0xae: {  	[dreg:$0x2] =	wrdreg s2  }
0xaf: {  	[dreg:$0x3] =	wrdreg s24  }
0xb0: {  	[dreg:$0x4] =	wrdreg $0x9  }
0xb1: {  	_ =	task.clear_ibuf [dreg:s7], $0x5FFFF;
	_ =	strace $0x90000046  }
0xb2: {  	s29 =	simm.s32 $0x9;
	_ =	strace $0x80000048  }
0xb3: {  	_ =	swait.ge [sflag:s29], $0x1  }
0xb4: {  	[sflag:s29] =	ssyncadd.s32 $0xFFFFFFFF  }
0xb5: {  	_ =	strace $0x90000048  }
0xb6: {  	_ =	sfence  }
0xb7: {  	s30 =	sld [smem:$0x0];
	_ =	sdelay $0x2  }
0xb8: {  	s31 =	sshll.u32 s1, $0xD;
	s1 =	sshrl.u32 s1, $0x2  }
0xb9: {  	s3 =	sand.u32 $0x4000, s31;
	s1 =	sadd.s32 s1, s30  }
0xba: {  	s0 =	sor.u32 s3, s0;
	s1 =	sshll.u32 s1, $0x11  }
0xbb: {  	s0 =	sor.u32 s1, s0  }
0xbc: {  	s0 =	sadd.s32 $0x8F2B, s0  }
0xbd: {  	[sflag:s0] =	ssyncadd.remote.s32 $0x1  }
0xbe: {  	_ =	sfence.sel $0xFFFF  }
0xbf: {  	[dreg:$0x0] =	wrdreg $0xFFFFFFFF;
	(pc) =	sbr.abs _section_cstart, $3  }
0xc0: {  	[dreg:$0x1] =	wrdreg $0xFFFFFFFF  }
0xc1: {  	_ =	task.clear_ibuf [dreg:s7], $0x2FFFF;
	_ =	strace $0x9FFFFFFF  }
0xc2: {  	(tm) =	ssettm $0x7FFFFFFF  }
0xc3: {  	_ =	shalt  }
tec
execute0_lowered:
.L_overlay_start_1:
0x0: {  	(tag) =	ssettag $0x1  }
0x1: {  	s3 =	rddreg [dreg:$0x0];
	s0 =	srdreg.scid  }
0x2: {  	s4 =	rddreg [dreg:$0x1];
	s1 =	stileid.u32;
	s2 =	simm.s32 $0x0  }
0x3: {  	s5 =	sand.u32 $0x1, s0;
	s0 =	rddreg [dreg:$0x2];
	s6 =	sshll.u32 s1, $0x10  }
0x4: {  	[smem:$0x7FF] =	sst s2;
	s7 =	sshll.u32 s5, $0xF;
	s5 =	ssub.s32 $0x2, s5  }
0x5: {  	_ =	strace $0x80000047;
	s6 =	sor.u32 s7, s6;
	s30 =	sshrl.u32 s5, $0x1  }
0x6: {  	s7 =	simm.s32 $0x1;
	s6 =	sshrl.u32 s6, $0x3;
	s31 =	ssub.s32 s5, s30  }
0x7: {  	s8 =	sadd.s32 s6, s4;
	s3 =	sadd.s32 s3, s6;
	s4 =	smax.u32 s31, $0x1  }
0x8: {  	s6 =	simm.s32 $0x2;
	s5 =	sadd.s32 $0x400, s8;
	s8 =	simm.s32 $0x0  }
.LBB2_1:
0x9: {  	[tilespmem:s2], [sflag:$0x2] =	stream.linear.gather [hbm4b:s3+s2], $0x8000, $0x38;
	[tilespmem:$0x8000] =	vst v63  }
0xa: {  	_ =	swait.ge [sflag:s6], $0x8000  }
0xb: {  	[sflag:s6] =	ssyncset.done $0x0  }
0xc: {  	s9 =	sadd.s32 $0x0, s5;
	[sflag:s6] =	ssyncadd.s32 $0xFFFF8000  }
0xd: {  	[hbm4b:s9+s2] =	stream.linear.scatter [tilespmem:s2], [sflag:$0x1], $0x8000, $0x38;
	[tilespmem:$0x8000] =	vst v63  }
0xe: {  	s10 =	sadd.s32 $0x20000, s9  }
0xf: {  	[hbm4b:s10+s2] =	stream.linear.scatter [tilespmem:s2], [sflag:$0x1], $0x8000, $0x38;
	[tilespmem:$0x8000] =	vst v63  }
0x10: {  	s26 =	sadd.s32 $0x40000, s9  }
0x11: {  	[hbm4b:s26+s2] =	stream.linear.scatter [tilespmem:s2], [sflag:$0x1], $0x8000, $0x38;
	[tilespmem:$0x8000] =	vst v63  }
0x12: {  	s28 =	sadd.s32 $0x60000, s9  }
0x13: {  	[hbm4b:s28+s2] =	stream.linear.scatter [tilespmem:s2], [sflag:$0x1], $0x8000, $0x38;
	[tilespmem:$0x8000] =	vst v63  }
0x14: {  	s29 =	sadd.s32 $0x80000, s9  }
0x15: {  	[hbm4b:s29+s2] =	stream.linear.scatter [tilespmem:s2], [sflag:$0x1], $0x8000, $0x38;
	[tilespmem:$0x8000] =	vst v63  }
0x16: {  	s30 =	sadd.s32 $0xA0000, s9  }
0x17: {  	[hbm4b:s30+s2] =	stream.linear.scatter [tilespmem:s2], [sflag:$0x1], $0x8000, $0x38;
	[tilespmem:$0x8000] =	vst v63  }
0x18: {  	s31 =	sadd.s32 $0xC0000, s9  }
0x19: {  	[hbm4b:s31+s2] =	stream.linear.scatter [tilespmem:s2], [sflag:$0x1], $0x8000, $0x38;
	[tilespmem:$0x8000] =	vst v63  }
0x1a: {  	s9 =	sadd.s32 $0xE0000, s9  }
0x1b: {  	[hbm4b:s9+s2] =	stream.linear.scatter [tilespmem:s2], [sflag:$0x1], $0x8000, $0x38;
	[tilespmem:$0x8000] =	vst v63  }
0x1c: {  	_ =	swait.ge [sflag:s7], $0x8000  }
0x1d: {  	[sflag:s7] =	ssyncset.done $0x0  }
0x1e: {  	[sflag:s7] =	ssyncadd.s32 $0xFFFF8000  }
0x1f: {  	_ =	swait.ge [sflag:s7], $0x8000  }
0x20: {  	[sflag:s7] =	ssyncset.done $0x0  }
0x21: {  	[sflag:s7] =	ssyncadd.s32 $0xFFFF8000  }
0x22: {  	_ =	swait.ge [sflag:s7], $0x8000  }
0x23: {  	[sflag:s7] =	ssyncset.done $0x0  }
0x24: {  	[sflag:s7] =	ssyncadd.s32 $0xFFFF8000  }
0x25: {  	_ =	swait.ge [sflag:s7], $0x8000  }
0x26: {  	[sflag:s7] =	ssyncset.done $0x0  }
0x27: {  	[sflag:s7] =	ssyncadd.s32 $0xFFFF8000  }
0x28: {  	_ =	swait.ge [sflag:s7], $0x8000  }
0x29: {  	[sflag:s7] =	ssyncset.done $0x0  }
0x2a: {  	[sflag:s7] =	ssyncadd.s32 $0xFFFF8000  }
0x2b: {  	_ =	swait.ge [sflag:s7], $0x8000  }
0x2c: {  	[sflag:s7] =	ssyncset.done $0x0  }
0x2d: {  	[sflag:s7] =	ssyncadd.s32 $0xFFFF8000  }
0x2e: {  	_ =	swait.ge [sflag:s7], $0x8000  }
0x2f: {  	[sflag:s7] =	ssyncset.done $0x0  }
0x30: {  	[sflag:s7] =	ssyncadd.s32 $0xFFFF8000  }
0x31: {  	_ =	swait.ge [sflag:s7], $0x8000  }
0x32: {  	s11 =	simm.s32 $0x200000;
	s9 =	simm.s32 $0x100000;
	[sflag:s7] =	ssyncset.done $0x0  }
.LBB2_2:
0x33: {  	s12 =	sadd.s32 s9, s5  }
0x34: {  	[sflag:s7] =	ssyncadd.s32 $0xFFFF8000;
	s9 =	smov.u32 s11;
	s10 =	sadd.s32 $0x100000, s11  }
0x35: {  	[hbm4b:s12+s2] =	stream.linear.scatter [tilespmem:s2], [sflag:$0x1], $0x8000, $0x38;
	[tilespmem:$0x8000] =	vst v63  }
0x36: {  	p0 =	sne.s32 s11, $0xF00000;
	s11 =	sadd.s32 $0x20000, s12  }
0x37: {  	[hbm4b:s11+s2] =	stream.linear.scatter [tilespmem:s2], [sflag:$0x1], $0x8000, $0x38;
	[tilespmem:$0x8000] =	vst v63  }
0x38: {  	s11 =	sadd.s32 $0x40000, s12  }
0x39: {  	[hbm4b:s11+s2] =	stream.linear.scatter [tilespmem:s2], [sflag:$0x1], $0x8000, $0x38;
	[tilespmem:$0x8000] =	vst v63  }
0x3a: {  	s11 =	sadd.s32 $0x60000, s12  }
0x3b: {  	[hbm4b:s11+s2] =	stream.linear.scatter [tilespmem:s2], [sflag:$0x1], $0x8000, $0x38;
	[tilespmem:$0x8000] =	vst v63  }
0x3c: {  	s11 =	sadd.s32 $0x80000, s12  }
0x3d: {  	[hbm4b:s11+s2] =	stream.linear.scatter [tilespmem:s2], [sflag:$0x1], $0x8000, $0x38;
	[tilespmem:$0x8000] =	vst v63  }
0x3e: {  	s11 =	sadd.s32 $0xA0000, s12  }
0x3f: {  	[hbm4b:s11+s2] =	stream.linear.scatter [tilespmem:s2], [sflag:$0x1], $0x8000, $0x38;
	[tilespmem:$0x8000] =	vst v63  }
0x40: {  	s11 =	sadd.s32 $0xC0000, s12  }
0x41: {  	[hbm4b:s11+s2] =	stream.linear.scatter [tilespmem:s2], [sflag:$0x1], $0x8000, $0x38;
	[tilespmem:$0x8000] =	vst v63  }
0x42: {  	s11 =	sadd.s32 $0xE0000, s12  }
0x43: {  	[hbm4b:s11+s2] =	stream.linear.scatter [tilespmem:s2], [sflag:$0x1], $0x8000, $0x38;
	[tilespmem:$0x8000] =	vst v63  }
0x44: {  	_ =	swait.ge [sflag:s7], $0x8000  }
0x45: {  	[sflag:s7] =	ssyncset.done $0x0  }
0x46: {  	[sflag:s7] =	ssyncadd.s32 $0xFFFF8000  }
0x47: {  	_ =	swait.ge [sflag:s7], $0x8000  }
0x48: {  	[sflag:s7] =	ssyncset.done $0x0  }
0x49: {  	[sflag:s7] =	ssyncadd.s32 $0xFFFF8000  }
0x4a: {  	_ =	swait.ge [sflag:s7], $0x8000  }
0x4b: {  	[sflag:s7] =	ssyncset.done $0x0  }
0x4c: {  	[sflag:s7] =	ssyncadd.s32 $0xFFFF8000  }
0x4d: {  	_ =	swait.ge [sflag:s7], $0x8000  }
0x4e: {  	[sflag:s7] =	ssyncset.done $0x0  }
0x4f: {  	[sflag:s7] =	ssyncadd.s32 $0xFFFF8000  }
0x50: {  	_ =	swait.ge [sflag:s7], $0x8000  }
0x51: {  	[sflag:s7] =	ssyncset.done $0x0  }
0x52: {  	[sflag:s7] =	ssyncadd.s32 $0xFFFF8000  }
0x53: {  	_ =	swait.ge [sflag:s7], $0x8000  }
0x54: {  	[sflag:s7] =	ssyncset.done $0x0  }
0x55: {  	[sflag:s7] =	ssyncadd.s32 $0xFFFF8000  }
.Ltmp0:
0x56: {  	_ =	swait.ge [sflag:s7], $0x8000;
	(pc) =	sbr.rel @p0 .LBB2_2-.Ltmp0, $4  }
0x57: {  	[sflag:s7] =	ssyncset.done $0x0  }
0x58: {  	[sflag:s7] =	ssyncadd.s32 $0xFFFF8000  }
0x59: {  	_ =	swait.ge [sflag:s7], $0x8000  }
0x5a: {  	s11 =	smov.u32 s10;
	[sflag:s7] =	ssyncset.done $0x0  }
0x5b: {  	s9 =	sadd.s32 s9, s5;
	[sflag:s7] =	ssyncadd.s32 $0xFFFF8000  }
0x5c: {  	[hbm4b:s9+s2] =	stream.linear.scatter [tilespmem:s2], [sflag:$0x1], $0x8000, $0x38;
	[tilespmem:$0x8000] =	vst v63  }
0x5d: {  	s10 =	sadd.s32 $0x20000, s9  }
0x5e: {  	[hbm4b:s10+s2] =	stream.linear.scatter [tilespmem:s2], [sflag:$0x1], $0x8000, $0x38;
	[tilespmem:$0x8000] =	vst v63  }
0x5f: {  	s26 =	sadd.s32 $0x40000, s9  }
0x60: {  	[hbm4b:s26+s2] =	stream.linear.scatter [tilespmem:s2], [sflag:$0x1], $0x8000, $0x38;
	[tilespmem:$0x8000] =	vst v63  }
0x61: {  	s28 =	sadd.s32 $0x60000, s9  }
0x62: {  	[hbm4b:s28+s2] =	stream.linear.scatter [tilespmem:s2], [sflag:$0x1], $0x8000, $0x38;
	[tilespmem:$0x8000] =	vst v63  }
0x63: {  	s29 =	sadd.s32 $0x80000, s9  }
0x64: {  	[hbm4b:s29+s2] =	stream.linear.scatter [tilespmem:s2], [sflag:$0x1], $0x8000, $0x38;
	[tilespmem:$0x8000] =	vst v63  }
0x65: {  	s30 =	sadd.s32 $0xA0000, s9  }
0x66: {  	[hbm4b:s30+s2] =	stream.linear.scatter [tilespmem:s2], [sflag:$0x1], $0x8000, $0x38;
	[tilespmem:$0x8000] =	vst v63  }
0x67: {  	s31 =	sadd.s32 $0xC0000, s9  }
0x68: {  	[hbm4b:s31+s2] =	stream.linear.scatter [tilespmem:s2], [sflag:$0x1], $0x8000, $0x38;
	[tilespmem:$0x8000] =	vst v63  }
0x69: {  	s9 =	sadd.s32 $0xE0000, s9  }
0x6a: {  	[hbm4b:s9+s2] =	stream.linear.scatter [tilespmem:s2], [sflag:$0x1], $0x8000, $0x38;
	[tilespmem:$0x8000] =	vst v63  }
0x6b: {  	_ =	swait.ge [sflag:s7], $0x8000  }
0x6c: {  	[sflag:s7] =	ssyncset.done $0x0  }
0x6d: {  	[sflag:s7] =	ssyncadd.s32 $0xFFFF8000  }
0x6e: {  	_ =	swait.ge [sflag:s7], $0x8000  }
0x6f: {  	[sflag:s7] =	ssyncset.done $0x0  }
0x70: {  	[sflag:s7] =	ssyncadd.s32 $0xFFFF8000  }
0x71: {  	_ =	swait.ge [sflag:s7], $0x8000  }
0x72: {  	[sflag:s7] =	ssyncset.done $0x0  }
0x73: {  	[sflag:s7] =	ssyncadd.s32 $0xFFFF8000  }
0x74: {  	_ =	swait.ge [sflag:s7], $0x8000  }
0x75: {  	[sflag:s7] =	ssyncset.done $0x0  }
0x76: {  	[sflag:s7] =	ssyncadd.s32 $0xFFFF8000  }
0x77: {  	_ =	swait.ge [sflag:s7], $0x8000  }
0x78: {  	[sflag:s7] =	ssyncset.done $0x0  }
0x79: {  	[sflag:s7] =	ssyncadd.s32 $0xFFFF8000  }
0x7a: {  	_ =	swait.ge [sflag:s7], $0x8000  }
0x7b: {  	[sflag:s7] =	ssyncset.done $0x0  }
0x7c: {  	s8 =	sadd.s32 $0x1, s8;
	[sflag:s7] =	ssyncadd.s32 $0xFFFF8000  }
0x7d: {  	p0 =	sne.s32 s8, s4;
	_ =	swait.ge [sflag:s7], $0x8000  }
.Ltmp1:
0x7e: {  	[sflag:s7] =	ssyncset.done $0x0;
	(pc) =	sbr.rel @p0 .LBB2_1-.Ltmp1, $4  }
0x7f: {  	[sflag:s7] =	ssyncadd.s32 $0xFFFF8000  }
0x80: {  	_ =	swait.ge [sflag:s7], $0x8000  }
0x81: {  	[sflag:s7] =	ssyncset.done $0x0  }
0x82: {  	[sflag:s7] =	ssyncadd.s32 $0xFFFF8000  }
0x83: {  	_ =	sfence.sel $0x180000  }
0x84: {  	[bflag:$0x0] =	sbarrier.arrive $0xFFFF  }
0x85: {  	p0 =	sne.s32 s1, $0x0;
	_ =	strace $0x90000047  }
0x86: {  	s0 =	sadd.s32 @!p0 $0x100000, s0;
	[bflag:$0x2] =	sbarrier.arrive $0xFFFF  }
0x87: {  	[sflag:s0] =	ssyncadd.tile.s32 @!p0 $0x1;
	_ =	shalt  }
.Lfunc_end2:
_tile_overlayer_lowered:
.L_overlay_start_2:
0x88: {  	(tag) =	ssettag $0x2  }
0x89: {  	s0 =	rddreg [dreg:$0x0];
	s2 =	stileid.u32  }
0x8a: {  	s1 =	rddreg [dreg:$0x1];
	p0 =	sne.s32 s2, $0x0  }
0x8b: {  	s3 =	rddreg [dreg:$0x2];
	[bflag:$0x3] =	sbarrier.arrive $0xFFFF;
	s2 =	simm.s32 @!p0 $0x1C02  }
0x8c: {  	[timem:s3], [sflag:s2] =	dma.local @!p0 [hbm:s0], s1  }
0x8d: {  	s0 =	simm.s32 @!p0 $0x2  }
0x8e: {  	_ =	swait.ge @!p0 [sflag:s0], s1  }
0x8f: {  	s1 =	ssub.s32 @!p0 $0x0, s1;
	[sflag:s0] =	ssyncset.done @!p0 $0x0  }
0x90: {  	[sflag:s0] =	ssyncadd.s32 @!p0 s1  }
0x91: {  	[bflag:$0x3] =	sbarrier.arrive $0xFFFF  }
0x92: {  	_ =	shalt  }

</sc_bundles>
